<compile_context>
chip_gen: v7x
topology: tpu7x:2x2x1
jax: 0.10.2.dev20260603
libtpu: 0.0.44.dev20260713+nightly
codegen_flags: <defaults>
</compile_context>

<pallas_src>
import jax
import jax.numpy as jnp
from jax import lax
from jax.experimental import pallas as pl
from jax.experimental.pallas import tpu as pltpu
from jax.experimental.pallas import tpu_sc as plsc

N_FIELDS = 26
VOCAB = 100000
DIM = 32
BATCH = 16384

NC, NS, L = 2, 16, 16
NW = NC * NS
TASKS = N_FIELDS * DIM
TPW = TASKS // NW
OUTCH = 2048


def _body(idx_hbm, tab_hbm, out_hbm, idx_v, row_v, out_v):
    wid = lax.axis_index("s") * NC + lax.axis_index("c")

    @pl.loop(0, TPW)
    def _(k):
        task = wid * TPW + k
        f = task // DIM
        d = task % DIM

        @pl.when(jnp.logical_or(k == 0, d == 0))
        def _():
            pltpu.sync_copy(idx_hbm.at[f], idx_v)

        pltpu.sync_copy(tab_hbm.at[f, d], row_v)

        @pl.loop(0, BATCH // OUTCH)
        def _(c):
            @pl.loop(0, OUTCH // L)
            def _(i):
                v = idx_v[pl.ds(c * OUTCH + i * L, L)]
                out_v[pl.ds(i * L, L)] = plsc.load_gather(row_v, [v])

            pltpu.sync_copy(out_v, out_hbm.at[f, d, pl.ds(c * OUTCH, OUTCH)])


_gather = pl.kernel(
    _body,
    out_type=jax.ShapeDtypeStruct((N_FIELDS, DIM, BATCH), jnp.float32),
    mesh=plsc.VectorSubcoreMesh(core_axis_name="c", subcore_axis_name="s"),
    scratch_types=[
        pltpu.VMEM((BATCH,), jnp.int32),
        pltpu.VMEM((VOCAB + 1,), jnp.float32),
        pltpu.VMEM((OUTCH,), jnp.float32),
    ],
    compiler_params=pltpu.CompilerParams(
        use_tc_tiling_on_sc=True, needs_layout_passes=False),
)


def kernel(one_hot_x, tables):
    idx_t = jnp.transpose(one_hot_x, (1, 0))
    tab_t = jnp.transpose(tables, (0, 2, 1))
    out = _gather(idx_t, tab_t)
    return jnp.transpose(out, (2, 0, 1))

# --- scband reference (transcript-rebuilt; emitter-appended) ---
"""Pipeline reference for scband-embedding-layer-80719615361472 (READ-ONLY COPY).

The authoritative reference and input builder live on the scoring server;
editing this copy changes nothing except your own understanding.
"""

import jax, jax.numpy as jnp
import numpy as np

N_FIELDS = 26
VOCAB = 100000
DIM = 32
BATCH = 16384


def setup_inputs(seed: int = 0) -> dict:
    key = jax.random.key(seed)
    k1, k2 = jax.random.split(key)
    one_hot_x = jax.random.randint(k1, (BATCH, N_FIELDS), 0, VOCAB, dtype=jnp.int32)
    # 26 embedding tables, each (VOCAB+1, DIM) as in nn.Embedding(num_embeddings + 1, dim),
    # stacked into a single [N_FIELDS, VOCAB+1, DIM] array.
    tables = jax.random.normal(k2, (N_FIELDS, VOCAB + 1, DIM), dtype=jnp.float32)
    return {"one_hot_x": one_hot_x, "tables": tables}


def reference(one_hot_x, tables):
    # OneHotEmbeddingLayer: per-field embedding lookup then stack along dim=1 (cat_emb=False).
    # embs[i] = tables[i][one_hot_x[:, i]]  -> stacked to [B, N_FIELDS, DIM]
    f_idx = jnp.arange(N_FIELDS)[None, :]          # [1, N_FIELDS]
    embs = tables[f_idx, one_hot_x]                # gather -> [B, N_FIELDS, DIM]
    return embs

if __name__ == "__main__":
    import jax
    _d = setup_inputs()
    print(jax.jit(kernel)(*tuple(_d.values())))

</pallas_src>

<mosaic_0001>
#map = affine_map<(d0, d1) -> (0, 0)>
#map1 = affine_map<(d0, d1) -> (0, 0, 0)>
module attributes {stable_mosaic.version = 14 : i64} {
  func.func @_body(%arg0: i32, %arg1: i32, %arg2: memref<26x16384xi32, #tpu.memory_space<hbm>>, %arg3: memref<26x32x100001xf32, #tpu.memory_space<hbm>>, %arg4: memref<26x32x16384xf32, #tpu.memory_space<hbm>>, %arg5: memref<16384xi32, #tpu.memory_space<vmem>>, %arg6: memref<100001xf32, #tpu.memory_space<vmem>>, %arg7: memref<2048xf32, #tpu.memory_space<vmem>>) attributes {dimension_semantics = [#tpu.dimension_semantics<core_parallel>, #tpu.dimension_semantics<subcore_parallel>], iteration_bounds = array<i64: 2, 16>, scalar_prefetch = 0 : i64, scratch_operands = 3 : i64, tpu.core_type = #tpu.core_type<sc_vector_subcore>, window_params = [{transform_indices = #map}, {transform_indices = #map1}, {transform_indices = #map1}]} {
    %mul3A = arith.constant 2 : i32
    %mul3A_0 = arith.muli %arg1, %mul3A : i32
    %add3A = arith.addi %mul3A_0, %arg0 : i32
    %scan3A = arith.constant 0 : i32
    %scan3A_1 = arith.constant 26 : i32
    %scan3A_2 = arith.addi %scan3A, %scan3A_1 : i32
    %scan3A_3 = arith.constant 1 : i32
    scf.for %scan3A_5 = %scan3A to %scan3A_2 step %scan3A_3  : i32 {
      %mul3A_6 = arith.constant 1 : i32
      %mul3A_7 = arith.muli %scan3A_5, %mul3A_6 : i32
      %add3A_8 = arith.constant 0 : i32
      %add3A_9 = arith.addi %add3A_8, %mul3A_7 : i32
      %mul3A_10 = arith.constant 26 : i32
      %mul3A_11 = arith.muli %add3A, %mul3A_10 : i32
      %add3A_12 = arith.addi %mul3A_11, %add3A_9 : i32
      %jit3A = arith.constant 32 : i32
      %div3A = arith.divsi %add3A_12, %jit3A : i32
      %sign3A = arith.constant 0 : i32
      %sign3A_13 = arith.cmpi sgt, %add3A_12, %sign3A : i32
      %sign3A_14 = arith.extui %sign3A_13 : i1 to i32
      %sign3A_15 = arith.constant 0 : i32
      %sign3A_16 = arith.cmpi slt, %add3A_12, %sign3A_15 : i32
      %sign3A_17 = arith.extui %sign3A_16 : i1 to i32
      %sign3A_18 = arith.subi %sign3A_14, %sign3A_17 : i32
      %sign3A_19 = arith.constant 0 : i32
      %sign3A_20 = arith.cmpi sgt, %jit3A, %sign3A_19 : i32
      %sign3A_21 = arith.extui %sign3A_20 : i1 to i32
      %sign3A_22 = arith.constant 0 : i32
      %sign3A_23 = arith.cmpi slt, %jit3A, %sign3A_22 : i32
      %sign3A_24 = arith.extui %sign3A_23 : i1 to i32
      %sign3A_25 = arith.subi %sign3A_21, %sign3A_24 : i32
      %ne3A = arith.cmpi ne, %sign3A_18, %sign3A_25 : i32
      %rem3A = arith.remsi %add3A_12, %jit3A : i32
      %ne3A_26 = arith.constant 0 : i32
      %ne3A_27 = arith.cmpi ne, %rem3A, %ne3A_26 : i32
      %and3A = arith.andi %ne3A, %ne3A_27 : i1
      %sub3A = arith.constant 1 : i32
      %sub3A_28 = arith.subi %div3A, %sub3A : i32
      %select_n3A = arith.select %and3A, %sub3A_28, %div3A : i32
      %jit3A_29 = arith.constant 32 : i32
      %eq3A = arith.constant 0 : i32
      %eq3A_30 = arith.cmpi eq, %jit3A_29, %eq3A : i32
      %jit3A_31 = arith.constant 1 : i32
      %select_n3A_32 = arith.select %eq3A_30, %jit3A_31, %jit3A_29 : i32
      %rem3A_33 = arith.remsi %add3A_12, %select_n3A_32 : i32
      %ne3A_34 = arith.constant 0 : i32
      %ne3A_35 = arith.cmpi ne, %rem3A_33, %ne3A_34 : i32
      %lt3A = arith.constant 0 : i32
      %lt3A_36 = arith.cmpi slt, %rem3A_33, %lt3A : i32
      %lt3A_37 = arith.constant 0 : i32
      %lt3A_38 = arith.cmpi slt, %select_n3A_32, %lt3A_37 : i32
      %ne3A_39 = arith.xori %lt3A_36, %lt3A_38 : i1
      %and3A_40 = arith.andi %ne3A_39, %ne3A_35 : i1
      %add3A_41 = arith.addi %rem3A_33, %select_n3A_32 : i32
      %select_n3A_42 = arith.select %and3A_40, %add3A_41, %rem3A_33 : i32
      %eq3A_43 = arith.constant 0 : i32
      %eq3A_44 = arith.cmpi eq, %add3A_9, %eq3A_43 : i32
      %eq3A_45 = arith.constant 0 : i32
      %eq3A_46 = arith.cmpi eq, %select_n3A_42, %eq3A_45 : i32
      %or3A = arith.ori %eq3A_44, %eq3A_46 : i1
      %convert_element_type3A = arith.extui %or3A : i1 to i32
      %cond3A = arith.constant 0 : i32
      %cond3A_47 = arith.cmpi ne, %convert_element_type3A, %cond3A : i32
      scf.if %cond3A_47 {
        "tpu.region"() ({
          %run_scoped3A = tpu.sem_alloc : memref<!tpu.dma_semaphore, #tpu.memory_space<semaphore_mem>>
          %dma_start3A = arith.constant 0 : i32
          %dma_start3A_53 = tpu.memref_slice %arg2[%select_n3A, %dma_start3A] : memref<26x16384xi32, #tpu.memory_space<hbm>> -> memref<1x16384xi32, #tpu.memory_space<hbm>>
          %dma_start3A_54 = tpu.memref_squeeze %dma_start3A_53 : memref<1x16384xi32, #tpu.memory_space<hbm>> -> memref<16384xi32, #tpu.memory_space<hbm>>
          %dma_start3A_55 = arith.constant 0 : i32
          %dma_start3A_56 = tpu.memref_slice %arg2[%select_n3A, %dma_start3A_55] : memref<26x16384xi32, #tpu.memory_space<hbm>> -> memref<1x16384xi32, #tpu.memory_space<hbm>>
          %dma_start3A_57 = tpu.memref_squeeze %dma_start3A_56 : memref<1x16384xi32, #tpu.memory_space<hbm>> -> memref<16384xi32, #tpu.memory_space<hbm>>
          tpu.enqueue_dma source(%dma_start3A_57 : memref<16384xi32, #tpu.memory_space<hbm>>) target(%arg5 : memref<16384xi32, #tpu.memory_space<vmem>>) target_semaphore(%run_scoped3A : memref<!tpu.dma_semaphore, #tpu.memory_space<semaphore_mem>>)
          %dma_wait3A = arith.constant 0 : i32
          %dma_wait3A_58 = tpu.memref_slice %arg2[%select_n3A, %dma_wait3A] : memref<26x16384xi32, #tpu.memory_space<hbm>> -> memref<1x16384xi32, #tpu.memory_space<hbm>>
          %dma_wait3A_59 = tpu.memref_squeeze %dma_wait3A_58 : memref<1x16384xi32, #tpu.memory_space<hbm>> -> memref<16384xi32, #tpu.memory_space<hbm>>
          %dma_wait3A_60 = arith.constant 0 : i32
          %dma_wait3A_61 = tpu.memref_slice %arg2[%select_n3A, %dma_wait3A_60] : memref<26x16384xi32, #tpu.memory_space<hbm>> -> memref<1x16384xi32, #tpu.memory_space<hbm>>
          %dma_wait3A_62 = tpu.memref_squeeze %dma_wait3A_61 : memref<1x16384xi32, #tpu.memory_space<hbm>> -> memref<16384xi32, #tpu.memory_space<hbm>>
          tpu.wait_dma2 semaphore(%run_scoped3A : memref<!tpu.dma_semaphore, #tpu.memory_space<semaphore_mem>>) src(%dma_wait3A_62 : memref<16384xi32, #tpu.memory_space<hbm>>) dst(%arg5 : memref<16384xi32, #tpu.memory_space<vmem>>)
          tpu.yield
        }) : () -> ()
      } else {
      }
      "tpu.region"() ({
        %run_scoped3A = tpu.sem_alloc : memref<!tpu.dma_semaphore, #tpu.memory_space<semaphore_mem>>
        %dma_start3A = arith.constant 0 : i32
        %dma_start3A_53 = tpu.memref_slice %arg3[%select_n3A, %select_n3A_42, %dma_start3A] : memref<26x32x100001xf32, #tpu.memory_space<hbm>> -> memref<1x1x100001xf32, #tpu.memory_space<hbm>>
        %dma_start3A_54 = tpu.memref_squeeze %dma_start3A_53 : memref<1x1x100001xf32, #tpu.memory_space<hbm>> -> memref<100001xf32, #tpu.memory_space<hbm>>
        %dma_start3A_55 = arith.constant 0 : i32
        %dma_start3A_56 = tpu.memref_slice %arg3[%select_n3A, %select_n3A_42, %dma_start3A_55] : memref<26x32x100001xf32, #tpu.memory_space<hbm>> -> memref<1x1x100001xf32, #tpu.memory_space<hbm>>
        %dma_start3A_57 = tpu.memref_squeeze %dma_start3A_56 : memref<1x1x100001xf32, #tpu.memory_space<hbm>> -> memref<100001xf32, #tpu.memory_space<hbm>>
        tpu.enqueue_dma source(%dma_start3A_57 : memref<100001xf32, #tpu.memory_space<hbm>>) target(%arg6 : memref<100001xf32, #tpu.memory_space<vmem>>) target_semaphore(%run_scoped3A : memref<!tpu.dma_semaphore, #tpu.memory_space<semaphore_mem>>)
        %dma_wait3A = arith.constant 0 : i32
        %dma_wait3A_58 = tpu.memref_slice %arg3[%select_n3A, %select_n3A_42, %dma_wait3A] : memref<26x32x100001xf32, #tpu.memory_space<hbm>> -> memref<1x1x100001xf32, #tpu.memory_space<hbm>>
        %dma_wait3A_59 = tpu.memref_squeeze %dma_wait3A_58 : memref<1x1x100001xf32, #tpu.memory_space<hbm>> -> memref<100001xf32, #tpu.memory_space<hbm>>
        %dma_wait3A_60 = arith.constant 0 : i32
        %dma_wait3A_61 = tpu.memref_slice %arg3[%select_n3A, %select_n3A_42, %dma_wait3A_60] : memref<26x32x100001xf32, #tpu.memory_space<hbm>> -> memref<1x1x100001xf32, #tpu.memory_space<hbm>>
        %dma_wait3A_62 = tpu.memref_squeeze %dma_wait3A_61 : memref<1x1x100001xf32, #tpu.memory_space<hbm>> -> memref<100001xf32, #tpu.memory_space<hbm>>
        tpu.wait_dma2 semaphore(%run_scoped3A : memref<!tpu.dma_semaphore, #tpu.memory_space<semaphore_mem>>) src(%dma_wait3A_62 : memref<100001xf32, #tpu.memory_space<hbm>>) dst(%arg6 : memref<100001xf32, #tpu.memory_space<vmem>>)
        tpu.yield
      }) : () -> ()
      %scan3A_48 = arith.constant 0 : i32
      %scan3A_49 = arith.constant 8 : i32
      %scan3A_50 = arith.addi %scan3A_48, %scan3A_49 : i32
      %scan3A_51 = arith.constant 1 : i32
      scf.for %scan3A_53 = %scan3A_48 to %scan3A_50 step %scan3A_51  : i32 {
        %mul3A_54 = arith.constant 1 : i32
        %mul3A_55 = arith.muli %scan3A_53, %mul3A_54 : i32
        %add3A_56 = arith.constant 0 : i32
        %add3A_57 = arith.addi %add3A_56, %mul3A_55 : i32
        %scan3A_58 = arith.constant 0 : i32
        %scan3A_59 = arith.constant 128 : i32
        %scan3A_60 = arith.addi %scan3A_58, %scan3A_59 : i32
        %scan3A_61 = arith.constant 1 : i32
        scf.for %scan3A_65 = %scan3A_58 to %scan3A_60 step %scan3A_61  : i32 {
          %mul3A_66 = arith.constant 1 : i32
          %mul3A_67 = arith.muli %scan3A_65, %mul3A_66 : i32
          %add3A_68 = arith.constant 0 : i32
          %add3A_69 = arith.addi %add3A_68, %mul3A_67 : i32
          %mul3A_70 = arith.constant 2048 : i32
          %mul3A_71 = arith.muli %add3A_57, %mul3A_70 : i32
          %mul3A_72 = arith.constant 16 : i32
          %mul3A_73 = arith.muli %add3A_69, %mul3A_72 : i32
          %add3A_74 = arith.addi %mul3A_71, %mul3A_73 : i32
          %get3A = arith.index_cast %add3A_74 : i32 to index
          %get3A_75 = tpu.vector_load %arg5[%get3A] {strides = array<i32>} : memref<16384xi32, #tpu.memory_space<vmem>>, vector<16xi32>,
          %gather3A = tpu.vector_load_idx %arg6[%get3A_75] : memref<100001xf32, #tpu.memory_space<vmem>>[vector<16xi32>], vector<16xf32>,
          %mul3A_76 = arith.constant 16 : i32
          %mul3A_77 = arith.muli %add3A_69, %mul3A_76 : i32
          %swap3A = arith.index_cast %mul3A_77 : i32 to index
          %swap3A_78 = tpu.vector_load %arg7[%swap3A] {strides = array<i32>} : memref<2048xf32, #tpu.memory_space<vmem>>, vector<16xf32>,
          tpu.vector_store %arg7[%swap3A], %gather3A {strides = array<i32>} : memref<2048xf32, #tpu.memory_space<vmem>>, vector<16xf32>,
        }
        %scan3A_62 = arith.constant 128 : i32
        %mul3A_63 = arith.constant 2048 : i32
        %mul3A_64 = arith.muli %add3A_57, %mul3A_63 : i32
        "tpu.region"() ({
          %run_scoped3A = tpu.sem_alloc : memref<!tpu.dma_semaphore, #tpu.memory_space<semaphore_mem>>
          %dma_start3A = tpu.memref_slice %arg4[%select_n3A, %select_n3A_42, %mul3A_64] : memref<26x32x16384xf32, #tpu.memory_space<hbm>> -> memref<1x1x2048xf32, #tpu.memory_space<hbm>>
          %dma_start3A_65 = tpu.memref_squeeze %dma_start3A : memref<1x1x2048xf32, #tpu.memory_space<hbm>> -> memref<2048xf32, #tpu.memory_space<hbm>>
          %dma_start3A_66 = tpu.memref_slice %arg4[%select_n3A, %select_n3A_42, %mul3A_64] : memref<26x32x16384xf32, #tpu.memory_space<hbm>> -> memref<1x1x2048xf32, #tpu.memory_space<hbm>>
          %dma_start3A_67 = tpu.memref_squeeze %dma_start3A_66 : memref<1x1x2048xf32, #tpu.memory_space<hbm>> -> memref<2048xf32, #tpu.memory_space<hbm>>
          tpu.enqueue_dma source(%arg7 : memref<2048xf32, #tpu.memory_space<vmem>>) target(%dma_start3A_67 : memref<2048xf32, #tpu.memory_space<hbm>>) target_semaphore(%run_scoped3A : memref<!tpu.dma_semaphore, #tpu.memory_space<semaphore_mem>>)
          %dma_wait3A = tpu.memref_slice %arg4[%select_n3A, %select_n3A_42, %mul3A_64] : memref<26x32x16384xf32, #tpu.memory_space<hbm>> -> memref<1x1x2048xf32, #tpu.memory_space<hbm>>
          %dma_wait3A_68 = tpu.memref_squeeze %dma_wait3A : memref<1x1x2048xf32, #tpu.memory_space<hbm>> -> memref<2048xf32, #tpu.memory_space<hbm>>
          %dma_wait3A_69 = tpu.memref_slice %arg4[%select_n3A, %select_n3A_42, %mul3A_64] : memref<26x32x16384xf32, #tpu.memory_space<hbm>> -> memref<1x1x2048xf32, #tpu.memory_space<hbm>>
          %dma_wait3A_70 = tpu.memref_squeeze %dma_wait3A_69 : memref<1x1x2048xf32, #tpu.memory_space<hbm>> -> memref<2048xf32, #tpu.memory_space<hbm>>
          tpu.wait_dma2 semaphore(%run_scoped3A : memref<!tpu.dma_semaphore, #tpu.memory_space<semaphore_mem>>) src(%arg7 : memref<2048xf32, #tpu.memory_space<vmem>>) dst(%dma_wait3A_70 : memref<2048xf32, #tpu.memory_space<hbm>>)
          tpu.yield
        }) : () -> ()
      }
      %scan3A_52 = arith.constant 8 : i32
    }
    %scan3A_4 = arith.constant 26 : i32
    return
  }
}

</mosaic_0001>

<sc_bundles>
// kernel: kernel.3.cloned.1.call-start
scs
__scs_entry_jumppad:
0x0: {  	(pc) =	sbr.rel $0x88, $3  }
0x1: {  	(tag) =	ssettag $0x0;
	lr =	simm.s32 $0x1  }
0x2: {  	[smem:$0x3F9F] =	sst lr;
	_ =	strace $0xD0000000  }
0x3: {  	_ = 	snop  }
0x4: {  	_ = 	snop  }
0x5: {  	_ = 	snop  }
0x6: {  	_ = 	snop  }
0x7: {  	_ = 	snop  }
__scs_overlays_trampoline_lowered:
0x8: {  	[smem:$0x3FAE] =	sst s0  }
0x9: {  	[smem:$0x3FAF] =	sst s1  }
0xa: {  	[smem:$0x3FB0] =	sst s2  }
0xb: {  	[smem:$0x3FB1] =	sst s3  }
0xc: {  	[smem:$0x3FB2] =	sst s4  }
0xd: {  	[smem:$0x3FB3] =	sst s5  }
0xe: {  	[smem:$0x3FB4] =	sst s6  }
0xf: {  	[smem:$0x3FB5] =	sst s7  }
0x10: {  	[smem:$0x3FB6] =	sst s8  }
0x11: {  	[smem:$0x3FB7] =	sst s9;
	s0 =	simm.s32 @!p0 $0x0  }
0x12: {  	s1 =	sld [smem:$0x3F9D];
	s0 =	simm.s32 @p0 $0x1  }
0x13: {  	[smem:$0x3FB8] =	sst s0;
	s0 =	simm.s32 @!p1 $0x0  }
0x14: {  	s2 =	sld [smem:$0x3F9C];
	s0 =	simm.s32 @p1 $0x1  }
0x15: {  	[smem:$0x3FB9] =	sst s0;
	s0 =	simm.s32 @!p2 $0x0  }
0x16: {  	s3 =	sld [smem:$0x3FDB];
	s0 =	simm.s32 @p2 $0x1  }
0x17: {  	s4 =	simm.s32 $0x1BF5;
	[smem:$0x3FBB] =	sst s0  }
0x18: {  	s0 =	sld [smem:$0x3F9E];
	_ =	swait.ge [sflag:s4], $0x0  }
0x19: {  	s7 =	sld [smem:$0x3F9F]  }
0x1a: {  	s8 =	sadd.s32 $0xFFFFE003, lr  }
0x1b: {  	s9 =	sadd.s32 $0xFFFFFEF7, lr;
	s5 =	simm.s32 $0xFFFFFFFF;
	p2 =	slt.u32 s8, $0xFFFFF086  }
0x1c: {  	p1 =	slt.u32 s9, $0xF7A;
	s5 =	simm.s32 @!p2 $0x0  }
0x1d: {  	s5 =	simm.s32 @p1 $0x1;
	p0 =	seq.s32 s7, s2  }
0x1e: {  	s7 =	smul.u32 @!p0 $0xF7A, s2;
	p2 =	seq.s32 @!p0 s5, $0x0  }
0x1f: {  	s9 =	smul.u32 $0xF7A, s1;
	s8 =	simm.s32 @!p0 $0x1BF5;
	p2 =	por !p2, p0  }
0x20: {  	[sflag:s8] =	ssyncset.s32 @!p0 $0xFFFFF086;
	s6 =	sadd.s32 @!p0 s3, s7;
	s7 =	simm.s32 @!p0 $0x108  }
0x21: {  	s3 =	sadd.s32 s3, s9;
	s6 =	sadd.s32 @!p0 $0x88, s6;
	s7 =	simm.s32 @p2 $0x1082  }
0x22: {  	[simem:s7], [sflag:s8] =	dma.local @!p0 [hbm:s6], $0xF7A  }
0x23: {  	s9 =	sor.u32 $0xD0000000, s2;
	s6 =	simm.s32 $0x108;
	_ =	swait.ge @!p0 [sflag:s8], $0x0  }
0x24: {  	s3 =	sadd.s32 $0x88, s3;
	s6 =	simm.s32 @!p1 $0x1082;
	[sflag:s4] =	ssyncset.s32 $0xFFFFF086  }
0x25: {  	[simem:s6], [sflag:s4] =	dma.local [hbm:s3], $0xF7A  }
0x26: {  	[smem:$0x3F9F] =	sst s1;
	(tag) =	ssettag s2;
	_ =	strace s9  }
0x27: {  	s1 =	sld [smem:$0x3FAF]  }
0x28: {  	s2 =	sld [smem:$0x3FB0]  }
0x29: {  	s4 =	sld [smem:$0x3FB2]  }
0x2a: {  	p0 =	seq.s32 s5, $0x0;
	s5 =	sld [smem:$0x3FB3]  }
0x2b: {  	s6 =	sld [smem:$0x3FB4]  }
0x2c: {  	s7 =	sld [smem:$0x3FB5]  }
0x2d: {  	s3 =	simm.s32 $0x108;
	s8 =	sld [smem:$0x3FB6]  }
0x2e: {  	s3 =	simm.s32 @!p0 $0x1082;
	s9 =	sld [smem:$0x3FB7]  }
0x2f: {  	lr =	sadd.s32 s0, s3;
	s0 =	sld [smem:$0x3FAE]  }
0x30: {  	s3 =	sld [smem:$0x3FB1]  }
0x31: {  	[smem:$0x3FBA] =	sst s10  }
0x32: {  	s10 =	sld [smem:$0x3FB8];
	_ =	sdelay $0x3  }
0x33: {  	p0 =	seq.s32 s10, $0x1;
	s10 =	sld [smem:$0x3FBA];
	_ =	sdelay $0x3  }
0x34: {  	[smem:$0x3FBA] =	sst s10  }
0x35: {  	s10 =	sld [smem:$0x3FB9];
	_ =	sdelay $0x3  }
0x36: {  	p1 =	seq.s32 s10, $0x1;
	s10 =	sld [smem:$0x3FBA];
	_ =	sdelay $0x3  }
0x37: {  	[smem:$0x3FBA] =	sst s10  }
0x38: {  	s10 =	sld [smem:$0x3FBB]  }
0x39: {  	_ = 	snop;
	(pc) =	sbr.ind lr, $3  }
0x3a: {  	_ = 	snop  }
0x3b: {  	_ = 	snop  }
0x3c: {  	p2 =	seq.s32 s10, $0x1;
	s10 =	sld [smem:$0x3FBA]  }
0x3d: {  	_ =	shalt  }
0x3e: {  	_ =	shalt  }
0x3f: {  	_ =	shalt  }
0x40: {  	_ =	shalt  }
0x41: {  	_ =	shalt  }
0x42: {  	_ =	shalt  }
0x43: {  	_ =	shalt  }
0x44: {  	_ =	shalt  }
0x45: {  	_ =	shalt  }
0x46: {  	_ =	shalt  }
0x47: {  	_ =	shalt  }
0x48: {  	_ =	shalt  }
0x49: {  	_ =	shalt  }
0x4a: {  	_ =	shalt  }
0x4b: {  	_ =	shalt  }
0x4c: {  	_ =	shalt  }
0x4d: {  	_ =	shalt  }
0x4e: {  	_ =	shalt  }
0x4f: {  	_ =	shalt  }
0x50: {  	_ =	shalt  }
0x51: {  	_ =	shalt  }
0x52: {  	_ =	shalt  }
0x53: {  	_ =	shalt  }
0x54: {  	_ =	shalt  }
0x55: {  	_ =	shalt  }
0x56: {  	_ =	shalt  }
0x57: {  	_ =	shalt  }
0x58: {  	_ =	shalt  }
0x59: {  	_ =	shalt  }
0x5a: {  	_ =	shalt  }
0x5b: {  	_ =	shalt  }
0x5c: {  	_ =	shalt  }
0x5d: {  	_ =	shalt  }
0x5e: {  	_ =	shalt  }
0x5f: {  	_ =	shalt  }
0x60: {  	_ =	shalt  }
0x61: {  	_ =	shalt  }
0x62: {  	_ =	shalt  }
0x63: {  	_ =	shalt  }
0x64: {  	_ =	shalt  }
0x65: {  	_ =	shalt  }
0x66: {  	_ =	shalt  }
0x67: {  	_ =	shalt  }
0x68: {  	_ =	shalt  }
0x69: {  	_ =	shalt  }
0x6a: {  	_ =	shalt  }
0x6b: {  	_ =	shalt  }
0x6c: {  	_ =	shalt  }
0x6d: {  	_ =	shalt  }
0x6e: {  	_ =	shalt  }
0x6f: {  	_ =	shalt  }
0x70: {  	_ =	shalt  }
0x71: {  	_ =	shalt  }
0x72: {  	_ =	shalt  }
0x73: {  	_ =	shalt  }
0x74: {  	_ =	shalt  }
0x75: {  	_ =	shalt  }
0x76: {  	_ =	shalt  }
0x77: {  	_ =	shalt  }
0x78: {  	_ =	shalt  }
0x79: {  	_ =	shalt  }
0x7a: {  	_ =	shalt  }
0x7b: {  	_ =	shalt  }
0x7c: {  	_ =	shalt  }
0x7d: {  	_ =	shalt  }
0x7e: {  	_ =	shalt  }
0x7f: {  	_ =	shalt  }
0x80: {  	_ =	shalt  }
0x81: {  	_ =	shalt  }
0x82: {  	_ =	shalt  }
0x83: {  	_ =	shalt  }
0x84: {  	_ =	shalt  }
0x85: {  	_ =	shalt  }
0x86: {  	_ =	shalt  }
0x87: {  	_ =	shalt  }
.Lfunc_end0:
.L_simem_size_0:
called_computation_lowered:
.L_overlay_start_0:
0x88: {  	s2 =	sld [smem:$0x3FD9]  }
0x89: {  	s3 =	sld [smem:$0x3FFE];
	_ =	sdelay $0x1  }
0x8a: {  	s1 =	srdreg.scid  }
0x8b: {  	s0 =	sand.u32 $0x1, s1  }
0x8c: {  	s18 =	sshll.u32 s0, $0xA;
	s2 =	sadd.s32 s3, s2  }
0x8d: {  	s2 =	sadd.s32 s2, s18  }
0x8e: {  	[smem:$0x3FC6] =	sst s2  }
0x8f: {  	_ = 	snop  }
0x90: {  	s2 =	sld [smem:$0x3FC9]  }
0x91: {  	s19 =	sld [smem:$0x3FC8]  }
0x92: {  	s4 =	sld [smem:$0x3FD0];
	(tm) =	ssettm $0x1  }
0x93: {  	s5 =	sld [smem:$0x3FFB];
	_ =	sdelay $0x3  }
0x94: {  	_ =	strace s5  }
0x95: {  	s5 =	sld [smem:$0x3FFC];
	_ =	sdelay $0x3  }
0x96: {  	_ =	strace s5  }
0x97: {  	s5 =	sld [smem:$0x3FFD];
	_ =	sdelay $0x3  }
0x98: {  	_ =	strace s5  }
0x99: {  	_ =	strace $0x8FFFFFFF  }
0x9a: {  	s20 =	sld [smem:$0x3FDB];
	_ =	sdelay $0x1  }
0x9b: {  	s6 =	simm.s32 $_scs_section_size  }
0x9c: {  	s7 =	simm.s32 $_size__tile_overlayer_lowered;
	s8 =	simm.s32 $_tile_overlayer_lowered  }
0x9d: {  	s23 =	simm.s32 $0x1BFF;
	s22 =	sshll.u32 s8, $0x1;
	s5 =	sadd.s32 s6, s20  }
0x9e: {  	s9 =	simm.s32 $0x0;
	s21 =	sshll.u32 s7, $0x1;
	s7 =	sadd.s32 s22, s5  }
0x9f: {  	[timem:s9], [sflag:s23] =	dma.local [hbm:s7], s21  }
0xa0: {  	_ =	swait.ge [sflag:s23], s21  }
0xa1: {  	s6 =	ssub.s32 $0x0, s21;
	[sflag:s23] =	ssyncset.done $0x0  }
0xa2: {  	[sflag:s23] =	ssyncadd.s32 s6;
	_ =	sdelay $0x1  }
0xa3: {  	s24 =	simm.s32 $0x1B8B  }
0xa4: {  	_ =	swait.ge [sflag:s24], $0x1  }
0xa5: {  	[sflag:s24] =	ssyncset.done $0x0  }
0xa6: {  	s25 =	simm.s32 $0x1B8E;
	[sflag:s24] =	ssyncadd.s32 $0xFFFFFFFF  }
0xa7: {  	s26 =	simm.s32 $execute0_lowered;
	[smem:$0x3FD2] =	sst s25  }
0xa8: {  	s6 =	sshll.u32 s26, $0x1;
	_ =	strace $0x80000046;
	[dreg:$0x1] =	wrdreg $0xFFFFFFFF  }
0xa9: {  	s28 =	simm.s32 $_size_execute0_lowered;
	s5 =	sadd.s32 s5, s6;
	[dreg:$0x0] =	wrdreg $0x0  }
0xaa: {  	s6 =	sshll.u32 s28, $0x1;
	[dreg:$0x2] =	wrdreg s5  }
0xab: {  	[dreg:$0x3] =	wrdreg s6  }
0xac: {  	[dreg:$0x4] =	wrdreg $0xC0  }
0xad: {  	_ =	task [dreg:s9], $0x5FFFF  }
0xae: {  	[dreg:$0x1] =	wrdreg $0xFFFFFFFF  }
0xaf: {  	[dreg:$0x0] =	wrdreg $0x60  }
0xb0: {  	[dreg:$0x2] =	wrdreg s2  }
0xb1: {  	[dreg:$0x3] =	wrdreg s19  }
0xb2: {  	[dreg:$0x4] =	wrdreg s4  }
0xb3: {  	[dreg:$0x5] =	wrdreg $0x9  }
0xb4: {  	_ =	task.clear_ibuf [dreg:s9], $0x6FFFF;
	_ =	strace $0x90000046  }
0xb5: {  	s29 =	simm.s32 $0x9;
	_ =	strace $0x80000048  }
0xb6: {  	_ =	swait.ge [sflag:s29], $0x1  }
0xb7: {  	[sflag:s29] =	ssyncadd.s32 $0xFFFFFFFF  }
0xb8: {  	_ =	strace $0x90000048  }
0xb9: {  	_ =	sfence  }
0xba: {  	s30 =	sld [smem:$0x0];
	_ =	sdelay $0x2  }
0xbb: {  	s31 =	sshll.u32 s1, $0xD;
	s1 =	sshrl.u32 s1, $0x2  }
0xbc: {  	s3 =	sand.u32 $0x4000, s31;
	s1 =	sadd.s32 s1, s30  }
0xbd: {  	s0 =	sor.u32 s3, s0;
	s1 =	sshll.u32 s1, $0x11  }
0xbe: {  	s0 =	sor.u32 s1, s0  }
0xbf: {  	s0 =	sadd.s32 $0x8F2B, s0  }
0xc0: {  	[sflag:s0] =	ssyncadd.remote.s32 $0x1  }
0xc1: {  	_ =	sfence.sel $0xFFFF  }
0xc2: {  	[dreg:$0x0] =	wrdreg $0xFFFFFFFF;
	(pc) =	sbr.abs _section_cstart, $3  }
0xc3: {  	[dreg:$0x1] =	wrdreg $0xFFFFFFFF  }
0xc4: {  	_ =	task.clear_ibuf [dreg:s9], $0x2FFFF;
	_ =	strace $0x9FFFFFFF  }
0xc5: {  	(tm) =	ssettm $0x7FFFFFFF  }
tec
execute0_lowered:
.L_overlay_start_1:
0x0: {  	(tag) =	ssettag $0x1  }
0x1: {  	s1 =	rddreg [dreg:$0x0]  }
0x2: {  	s2 =	rddreg [dreg:$0x1];
	s0 =	srdreg.scid  }
0x3: {  	s4 =	rddreg [dreg:$0x2];
	s3 =	stileid.u32  }
0x4: {  	s5 =	simm.s32 $0x0;
	s10 =	simm.s32 $0x1;
	s11 =	simm.s32 $0x4000  }
0x5: {  	s12 =	simm.s32 $0x1C700;
	s13 =	simm.s32 $0x0;
	s6 =	sand.u32 $0x1, s0  }
0x6: {  	s0 =	rddreg [dreg:$0x3];
	s9 =	sshll.u32 s3, $0x1;
	s7 =	ssub.s32 $0x2, s6  }
0x7: {  	[smem:$0x7FF] =	sst s5;
	s6 =	sor.u32 s6, s9;
	s8 =	sshrl.u32 s7, $0x1  }
0x8: {  	_ =	strace $0x80000047;
	s9 =	simm.s32 $0x400;
	s7 =	ssub.s32 s7, s8  }
0x9: {  	s6 =	smul.u32 $0x1A, s6;
	s8 =	simm.s32 $0x80;
	s7 =	smax.u32 s7, $0x1  }
.LBB2_1:
0xa: {  	s14 =	simm.s32 $0x0  }
.LBB2_2:
0xb: {  	s15 =	sadd.s32 s6, s14  }
0xc: {  	p0 =	seq.s32 s14, $0x0;
	s16 =	sand.u32 $0x1F, s15  }
0xd: {  	p1 =	sne.s32 @!p0 s16, $0x0  }
0xe: {  	s15 =	sshrl.u32 s15, $0x5;
	p0 =	por p0, !p1  }
0xf: {  	s30 =	sshrl.u32 s16, $0x3;
	s31 =	smul.u32 $0x30E000, s15;
	s17 =	sshll.u32 @p0 s15, $0x4  }
0x10: {  	s19 =	smul.u32 $0xC3800, s30;
	s18 =	sshll.u32 @p0 s15, $0xB;
	s17 =	sand.u32 @p0 $0x70, s17  }
0x11: {  	s16 =	sshll.u32 s16, $0x7;
	s18 =	sand.u32 @p0 $0xFFFC000, s18;
	s17 =	sadd.s32 @p0 s1, s17  }
0x12: {  	s16 =	sand.u32 $0x380, s16;
	s17 =	sadd.s32 @p0 s18, s17;
	s18 =	sadd.s32 s31, s19  }
0x13: {  	[tilespmem:s5], [sflag:$0x1] =	stream.strided.gather @p0 [hbm4b:s17+s8], $0x4000, s9, s8, $0x38;
	[tilespmem:$0x1CF00] =	vst v63  }
0x14: {  	s18 =	sor.u32 s16, s18;
	_ =	swait.ge @p0 [sflag:s10], $0x4000  }
0x15: {  	s18 =	sshrl.u32 s18, $0x3;
	[sflag:s10] =	ssyncset.done @p0 $0x0  }
0x16: {  	s18 =	sadd.s32 s2, s18;
	[sflag:s10] =	ssyncadd.s32 @p0 $0xFFFFC000  }
0x17: {  	[tilespmem:s11], [sflag:$0x1] =	stream.strided.gather [hbm4b:s18+s8], $0x18700, s9, s8, $0x38;
	[tilespmem:$0x1CF00] =	vst v63  }
0x18: {  	s15 =	sshll.u32 s15, $0x13;
	s17 =	sshll.u32 s30, $0x11;
	_ =	swait.ge [sflag:s10], $0x18700  }
0x19: {  	s15 =	sor.u32 s15, s17;
	s17 =	simm.s32 $0x0;
	[sflag:s10] =	ssyncset.done $0x0  }
0x1a: {  	s15 =	sor.u32 s16, s15;
	s16 =	simm.s32 $0x0;
	[sflag:s10] =	ssyncadd.s32 $0xFFFE7900  }
.LBB2_3:
0x1b: {  	s18 =	sshll.u32 s17, $0xB  }
0x1c: {  	s19 =	sand.u32 $0x780, s16;
	s18 =	sand.u32 $0x3FFFF800, s18  }
0x1d: {  	s20 =	sand.u32 $0x70, s16;
	s19 =	sadd.s32 s19, s18  }
0x1e: {  	s19 =	sadd.s32 s20, s19  }
0x1f: {  	v0 =	vld [tilespmem:s19+$0x0];
	_ =	sdelay $0x7  }
0x20: {  	v0 =	vld.idx.msk [tilespmem:v0+s11+$0x0], $0xffff;
	_ =	sdelay $0x1  }
0x21: {  	s20 =	simm.s32 $0x10  }
0x22: {  	s21 =	simm.s32 $0x20;
	s19 =	simm.s32 $0x1C700;
	s22 =	sand.u32 $0x780, s20  }
.LBB2_4:
0x23: {  	p0 =	sne.s32 s21, $0x7F0;
	s20 =	sand.u32 $0x70, s20;
	s22 =	sadd.s32 s22, s18  }
0x24: {  	s22 =	sadd.s32 s20, s22;
	[tilespmem:s19+$0x0] =	vst v0;
	s20 =	smov.u32 s21  }
0x25: {  	v0 =	vld [tilespmem:s22+$0x0];
	_ =	sdelay $0x7  }
.Ltmp0:
0x26: {  	v0 =	vld.idx.msk [tilespmem:v0+s11+$0x0], $0xffff;
	(pc) =	sbr.rel @p0 .LBB2_4-.Ltmp0, $2  }
0x27: {  	_ =	sdelay $0x2  }
0x28: {  	s21 =	sadd.s32 $0x10, s21;
	s19 =	sadd.s32 $0x10, s19;
	s22 =	sand.u32 $0x780, s20  }
0x29: {  	s20 =	sand.u32 $0x70, s20;
	s18 =	sadd.s32 s22, s18  }
0x2a: {  	[tilespmem:s19+$0x0] =	vst v0;
	s18 =	sadd.s32 s20, s18  }
0x2b: {  	v0 =	vld [tilespmem:s18+$0x0];
	_ =	sdelay $0x7  }
0x2c: {  	v0 =	vld.idx.msk [tilespmem:v0+s11+$0x0], $0xffff;
	_ =	sdelay $0x1  }
0x2d: {  	s30 =	sshll.u32 s17, $0xE  }
0x2e: {  	s17 =	sadd.s32 $0x1, s17;
	s18 =	sadd.s32 s15, s30  }
0x2f: {  	s31 =	sadd.s32 $0x10, s19;
	p0 =	sne.s32 s17, $0x8;
	s18 =	sshrl.u32 s18, $0x3  }
.Ltmp1:
0x30: {  	s18 =	sadd.s32 s4, s18;
	[tilespmem:s31+$0x0] =	vst v0;
	(pc) =	sbr.rel @p0 .LBB2_3-.Ltmp1, $4  }
0x31: {  	[hbm4b:s18+s8] =	stream.strided.scatter [tilespmem:s12], [sflag:$0x1], $0x800, s9, s8, $0x38;
	[tilespmem:$0x1CF00] =	vst v63  }
0x32: {  	_ =	swait.ge [sflag:s10], $0x800  }
0x33: {  	[sflag:s10] =	ssyncset.done $0x0  }
0x34: {  	[sflag:s10] =	ssyncadd.s32 $0xFFFFF800  }
0x35: {  	s14 =	sadd.s32 $0x1, s14  }
0x36: {  	p0 =	sne.s32 s14, $0x1A  }
.Ltmp2:
0x37: {  	_ = 	snop;
	(pc) =	sbr.rel @p0 .LBB2_2-.Ltmp2, $1  }
0x38: {  	_ =	sdelay $0x3  }
0x39: {  	s13 =	sadd.s32 $0x1, s13  }
0x3a: {  	p0 =	sne.s32 s13, s7  }
.Ltmp3:
0x3b: {  	_ = 	snop;
	(pc) =	sbr.rel @p0 .LBB2_1-.Ltmp3, $1  }
0x3c: {  	_ =	sdelay $0x3  }
0x3d: {  	_ =	sfence.sel $0x180000  }
0x3e: {  	[bflag:$0x0] =	sbarrier.arrive $0xFFFF  }
0x3f: {  	p0 =	sne.s32 s3, $0x0;
	_ =	strace $0x90000047  }
0x40: {  	s0 =	sadd.s32 @!p0 $0x100000, s0;
	[bflag:$0x2] =	sbarrier.arrive $0xFFFF  }
0x41: {  	[sflag:s0] =	ssyncadd.tile.s32 @!p0 $0x1;
	_ =	shalt  }
.Lfunc_end2:
_tile_overlayer_lowered:
.L_overlay_start_2:
0x42: {  	(tag) =	ssettag $0x2  }
0x43: {  	s0 =	rddreg [dreg:$0x0];
	s2 =	stileid.u32  }
0x44: {  	s1 =	rddreg [dreg:$0x1];
	p0 =	sne.s32 s2, $0x0  }
0x45: {  	s3 =	rddreg [dreg:$0x2];
	[bflag:$0x3] =	sbarrier.arrive $0xFFFF;
	s2 =	simm.s32 @!p0 $0x1C01  }
0x46: {  	[timem:s3], [sflag:s2] =	dma.local @!p0 [hbm:s0], s1  }
0x47: {  	s0 =	simm.s32 @!p0 $0x1  }
0x48: {  	_ =	swait.ge @!p0 [sflag:s0], s1  }
0x49: {  	s1 =	ssub.s32 @!p0 $0x0, s1;
	[sflag:s0] =	ssyncset.done @!p0 $0x0  }
0x4a: {  	[sflag:s0] =	ssyncadd.s32 @!p0 s1  }
0x4b: {  	[bflag:$0x3] =	sbarrier.arrive $0xFFFF  }
0x4c: {  	_ =	shalt  }

</sc_bundles>
